<compile_context>
chip_gen: v7x
topology: tpu7x:2x2x1
jax: 0.10.2.dev20260603
libtpu: 0.0.44.dev20260713+nightly
codegen_flags: <defaults>
</compile_context>

<pallas_src>
import functools

import jax
import jax.numpy as jnp
from jax import lax
from jax.experimental import pallas as pl
from jax.experimental.pallas import tpu as pltpu
from jax.experimental.pallas import tpu_sc as plsc

VOCAB = 90
D = 128
BATCH = 16384
HIST = 200
N = BATCH * HIST
NUM_CORES = 2
NUM_SUBCORES = 16
NW = NUM_CORES * NUM_SUBCORES
PER_W = N // NW
CHUNK = 256
NCHUNK = PER_W // CHUNK
NBUF = 2

assert PER_W * NW == N
assert NCHUNK * CHUNK == PER_W
assert NCHUNK % NBUF == 0
assert CHUNK % 8 == 0 and PER_W % 8 == 0


def _build_kernel():
  mesh = plsc.VectorSubcoreMesh(core_axis_name="c", subcore_axis_name="s")

  @functools.partial(
      pl.kernel,
      mesh=mesh,
      out_type=jax.ShapeDtypeStruct((N, D), jnp.float32),
      scratch_types=(
          [pltpu.VMEM_SHARED((VOCAB, D), jnp.float32)]
          + [pltpu.VMEM((CHUNK,), jnp.int32) for _ in range(NBUF)]
          + [pltpu.VMEM((CHUNK, D), jnp.float32) for _ in range(NBUF)]
          + [pltpu.SemaphoreType.DMA for _ in range(3 * NBUF)]
      ),
  )
  def emb_kernel(idx_hbm, table_hbm, out_hbm, shared_tab, *bufs):
    idx_v = bufs[0:NBUF]
    rows_v = bufs[NBUF:2 * NBUF]
    gsem = bufs[2 * NBUF:3 * NBUF]
    osem = bufs[3 * NBUF:4 * NBUF]
    isem = bufs[4 * NBUF:5 * NBUF]

    sid = lax.axis_index("s")
    wid = sid * NUM_CORES + lax.axis_index("c")
    base = wid * PER_W

    @pl.when(sid == 0)
    def _stage():
      pltpu.sync_copy(table_hbm, shared_tab)

    plsc.subcore_barrier()

    def idx_src(i):
      return idx_hbm.at[pl.ds(base + i * CHUNK, CHUNK)]

    def out_dst(i):
      return out_hbm.at[pl.ds(base + i * CHUNK, CHUNK)]

    pltpu.async_copy(idx_src(0), idx_v[0], isem[0])
    pltpu.async_copy(idx_src(1), idx_v[1], isem[1])

    def body(g, carry):
      for b in range(NBUF):
        i = NBUF * g + b
        pb = (b - 1) % NBUF

        @pl.when(g >= 1)
        def _reclaim():
          pltpu.make_async_copy(rows_v[b], out_dst(i), osem[b]).wait()

        pltpu.make_async_copy(idx_src(i), idx_v[b], isem[b]).wait()
        pltpu.async_copy(shared_tab.at[idx_v[b]], rows_v[b], gsem[b])

        def _advance():
          pltpu.make_async_copy(
              shared_tab.at[idx_v[pb]], rows_v[pb], gsem[pb]).wait()
          nxt = jnp.minimum(i + 1, NCHUNK - 1)
          pltpu.async_copy(idx_src(nxt), idx_v[(b + 1) % NBUF],
                           isem[(b + 1) % NBUF])
          pltpu.async_copy(rows_v[pb], out_dst(i - 1), osem[pb])

        if b == 0:
          pl.when(g >= 1)(_advance)
        else:
          _advance()
      return carry

    lax.fori_loop(0, NCHUNK // NBUF, body, 0)

    last = NCHUNK - 1
    lb = last % NBUF
    pltpu.make_async_copy(shared_tab.at[idx_v[lb]], rows_v[lb],
                          gsem[lb]).wait()
    pltpu.async_copy(rows_v[lb], out_dst(last), osem[lb])
    pltpu.make_async_copy(idx_src(last), idx_v[NCHUNK % NBUF],
                          isem[NCHUNK % NBUF]).wait()
    for b in range(NBUF):
      pltpu.make_async_copy(rows_v[b], out_dst(0), osem[b]).wait()

  return emb_kernel


_EMB_KERNEL = _build_kernel()


@jax.jit
def kernel(note, table):
  flat = note.reshape(-1)
  out = _EMB_KERNEL(flat, table)
  return out.reshape(BATCH, HIST, D)

# --- scband reference (transcript-rebuilt; emitter-appended) ---
"""Pipeline reference for scband-note-embedding-23278722744650 (READ-ONLY COPY).

The authoritative reference and input builder live on the scoring server;
editing this copy changes nothing except your own understanding.
"""

import jax, jax.numpy as jnp
import numpy as np

VOCAB = 90  # MIDI_EVENT_VOCCAB_SIZE: 2 special tokens + 88 notes
OUTPUT_SIZE = 128
BATCH = 16384
HIST = 200


def setup_inputs(seed: int = 0) -> dict:
    key = jax.random.key(seed)
    k_idx, k_tab = jax.random.split(key)
    note = jax.random.randint(k_idx, (BATCH, HIST), 0, VOCAB, dtype=jnp.int32)
    # eqx.nn.Embedding initializes weights ~ N(0,1) of shape [num_embeddings, embedding_size]
    table = jax.random.normal(k_tab, (VOCAB, OUTPUT_SIZE), dtype=jnp.float32)
    return {"note": note, "table": table}


def reference(note, table):
    # NoteEmbedding.__call__(note) = self.embedding(note) = table[note]
    # The original module takes a scalar note; we apply it over a [B, L] batch
    # of indices (equivalent to jax.vmap over both dims), which is a plain gather.
    return jnp.take(table, note, axis=0)

if __name__ == "__main__":
    import jax
    _d = setup_inputs()
    print(jax.jit(kernel)(*tuple(_d.values())))

</pallas_src>

<mosaic_0001>
#map = affine_map<(d0, d1) -> (0)>
#map1 = affine_map<(d0, d1) -> (0, 0)>
module attributes {stable_mosaic.version = 14 : i64} {
  func.func @emb_kernel(%arg0: i32, %arg1: i32, %arg2: memref<3276800xi32, #tpu.memory_space<hbm>>, %arg3: memref<90x128xf32, #tpu.memory_space<hbm>>, %arg4: memref<3276800x128xf32, #tpu.memory_space<hbm>>, %arg5: memref<90x128xf32, #tpu.memory_space<vmem_shared>>, %arg6: memref<256xi32, #tpu.memory_space<vmem>>, %arg7: memref<256xi32, #tpu.memory_space<vmem>>, %arg8: memref<256x128xf32, #tpu.memory_space<vmem>>, %arg9: memref<256x128xf32, #tpu.memory_space<vmem>>, %arg10: memref<!tpu.dma_semaphore, #tpu.memory_space<semaphore_mem>>, %arg11: memref<!tpu.dma_semaphore, #tpu.memory_space<semaphore_mem>>, %arg12: memref<!tpu.dma_semaphore, #tpu.memory_space<semaphore_mem>>, %arg13: memref<!tpu.dma_semaphore, #tpu.memory_space<semaphore_mem>>, %arg14: memref<!tpu.dma_semaphore, #tpu.memory_space<semaphore_mem>>, %arg15: memref<!tpu.dma_semaphore, #tpu.memory_space<semaphore_mem>>) attributes {dimension_semantics = [#tpu.dimension_semantics<core_parallel>, #tpu.dimension_semantics<subcore_parallel>], iteration_bounds = array<i64: 2, 16>, scalar_prefetch = 0 : i64, scratch_operands = 11 : i64, tpu.core_type = #tpu.core_type<sc_vector_subcore>, window_params = [{transform_indices = #map}, {transform_indices = #map1}, {transform_indices = #map1}]} {
    %mul3A = arith.constant 2 : i32
    %mul3A_0 = arith.muli %arg1, %mul3A : i32
    %add3A = arith.addi %mul3A_0, %arg0 : i32
    %mul3A_1 = arith.constant 102400 : i32
    %mul3A_2 = arith.muli %add3A, %mul3A_1 : i32
    %eq3A = arith.constant 0 : i32
    %eq3A_3 = arith.cmpi eq, %arg1, %eq3A : i32
    %convert_element_type3A = arith.extui %eq3A_3 : i1 to i32
    %cond3A = arith.constant 0 : i32
    %cond3A_4 = arith.cmpi ne, %convert_element_type3A, %cond3A : i32
    scf.if %cond3A_4 {
      "tpu.region"() ({
        %run_scoped3A = tpu.sem_alloc : memref<!tpu.dma_semaphore, #tpu.memory_space<semaphore_mem>>
        tpu.enqueue_dma source(%arg3 : memref<90x128xf32, #tpu.memory_space<hbm>>) target(%arg5 : memref<90x128xf32, #tpu.memory_space<vmem_shared>>) target_semaphore(%run_scoped3A : memref<!tpu.dma_semaphore, #tpu.memory_space<semaphore_mem>>)
        tpu.wait_dma2 semaphore(%run_scoped3A : memref<!tpu.dma_semaphore, #tpu.memory_space<semaphore_mem>>) src(%arg3 : memref<90x128xf32, #tpu.memory_space<hbm>>) dst(%arg5 : memref<90x128xf32, #tpu.memory_space<vmem_shared>>)
        tpu.yield
      }) : () -> ()
    } else {
    }
    %barrier3A = arith.constant 0 : index
    tpu.barrier barrier_id(%barrier3A)
    %add3A_5 = arith.constant 0 : i32
    %add3A_6 = arith.addi %mul3A_2, %add3A_5 : i32
    %dma_start3A = tpu.memref_slice %arg2[%add3A_6] : memref<3276800xi32, #tpu.memory_space<hbm>> -> memref<256xi32, #tpu.memory_space<hbm>>
    %dma_start3A_7 = tpu.memref_slice %arg2[%add3A_6] : memref<3276800xi32, #tpu.memory_space<hbm>> -> memref<256xi32, #tpu.memory_space<hbm>>
    tpu.enqueue_dma source(%dma_start3A_7 : memref<256xi32, #tpu.memory_space<hbm>>) target(%arg6 : memref<256xi32, #tpu.memory_space<vmem>>) target_semaphore(%arg14 : memref<!tpu.dma_semaphore, #tpu.memory_space<semaphore_mem>>)
    %add3A_8 = arith.constant 256 : i32
    %add3A_9 = arith.addi %mul3A_2, %add3A_8 : i32
    %dma_start3A_10 = tpu.memref_slice %arg2[%add3A_9] : memref<3276800xi32, #tpu.memory_space<hbm>> -> memref<256xi32, #tpu.memory_space<hbm>>
    %dma_start3A_11 = tpu.memref_slice %arg2[%add3A_9] : memref<3276800xi32, #tpu.memory_space<hbm>> -> memref<256xi32, #tpu.memory_space<hbm>>
    tpu.enqueue_dma source(%dma_start3A_11 : memref<256xi32, #tpu.memory_space<hbm>>) target(%arg7 : memref<256xi32, #tpu.memory_space<vmem>>) target_semaphore(%arg15 : memref<!tpu.dma_semaphore, #tpu.memory_space<semaphore_mem>>)
    %scan3A = arith.constant 0 : i32
    %scan3A_12 = arith.constant 0 : i32
    %scan3A_13 = arith.constant 200 : i32
    %scan3A_14 = arith.addi %scan3A_12, %scan3A_13 : i32
    %scan3A_15 = arith.constant 1 : i32
    scf.for %scan3A_41 = %scan3A_12 to %scan3A_14 step %scan3A_15  : i32 {
      %mul3A_42 = arith.constant 2 : i32
      %mul3A_43 = arith.muli %mul3A_42, %scan3A_41 : i32
      %add3A_44 = arith.constant 0 : i32
      %add3A_45 = arith.addi %mul3A_43, %add3A_44 : i32
      %ge3A = arith.constant 1 : i32
      %ge3A_46 = arith.cmpi sge, %scan3A_41, %ge3A : i32
      %convert_element_type3A_47 = arith.extui %ge3A_46 : i1 to i32
      %cond3A_48 = arith.constant 0 : i32
      %cond3A_49 = arith.cmpi ne, %convert_element_type3A_47, %cond3A_48 : i32
      scf.if %cond3A_49 {
        %mul3A_99 = arith.constant 256 : i32
        %mul3A_100 = arith.muli %add3A_45, %mul3A_99 : i32
        %add3A_101 = arith.addi %mul3A_2, %mul3A_100 : i32
        %dma_wait3A_102 = arith.constant 0 : i32
        %dma_wait3A_103 = tpu.memref_slice %arg4[%add3A_101, %dma_wait3A_102] : memref<3276800x128xf32, #tpu.memory_space<hbm>> -> memref<256x128xf32, #tpu.memory_space<hbm>>
        %dma_wait3A_104 = arith.constant 0 : i32
        %dma_wait3A_105 = tpu.memref_slice %arg4[%add3A_101, %dma_wait3A_104] : memref<3276800x128xf32, #tpu.memory_space<hbm>> -> memref<256x128xf32, #tpu.memory_space<hbm>>
        tpu.wait_dma2 semaphore(%arg12 : memref<!tpu.dma_semaphore, #tpu.memory_space<semaphore_mem>>) src(%arg8 : memref<256x128xf32, #tpu.memory_space<vmem>>) dst(%dma_wait3A_105 : memref<256x128xf32, #tpu.memory_space<hbm>>)
      } else {
      }
      %mul3A_50 = arith.constant 256 : i32
      %mul3A_51 = arith.muli %add3A_45, %mul3A_50 : i32
      %add3A_52 = arith.addi %mul3A_2, %mul3A_51 : i32
      %dma_wait3A_53 = tpu.memref_slice %arg2[%add3A_52] : memref<3276800xi32, #tpu.memory_space<hbm>> -> memref<256xi32, #tpu.memory_space<hbm>>
      %dma_wait3A_54 = tpu.memref_slice %arg2[%add3A_52] : memref<3276800xi32, #tpu.memory_space<hbm>> -> memref<256xi32, #tpu.memory_space<hbm>>
      tpu.wait_dma2 semaphore(%arg14 : memref<!tpu.dma_semaphore, #tpu.memory_space<semaphore_mem>>) src(%dma_wait3A_54 : memref<256xi32, #tpu.memory_space<hbm>>) dst(%arg6 : memref<256xi32, #tpu.memory_space<vmem>>)
      %dma_start3A_55 = arith.constant 0 : i32
      %dma_start3A_56 = arith.constant 0 : i32
      %dma_start3A_57 = tpu.memref_slice %arg5[%dma_start3A_55, %dma_start3A_56] : memref<90x128xf32, #tpu.memory_space<vmem_shared>> -> memref<90x128xf32, #tpu.memory_space<vmem_shared>>
      tpu.enqueue_indirect_dma source(%dma_start3A_57 : memref<90x128xf32, #tpu.memory_space<vmem_shared>>) target(%arg8 : memref<256x128xf32, #tpu.memory_space<vmem>>) offsets(%arg6 : memref<256xi32, #tpu.memory_space<vmem>>) semaphore(%arg10 : memref<!tpu.dma_semaphore, #tpu.memory_space<semaphore_mem>>)
      %ge3A_58 = arith.constant 1 : i32
      %ge3A_59 = arith.cmpi sge, %scan3A_41, %ge3A_58 : i32
      %convert_element_type3A_60 = arith.extui %ge3A_59 : i1 to i32
      %cond3A_61 = arith.constant 0 : i32
      %cond3A_62 = arith.cmpi ne, %convert_element_type3A_60, %cond3A_61 : i32
      scf.if %cond3A_62 {
        %dma_wait3A_99 = arith.constant 0 : i32
        %dma_wait3A_100 = arith.constant 0 : i32
        %dma_wait3A_101 = tpu.memref_slice %arg5[%dma_wait3A_99, %dma_wait3A_100] : memref<90x128xf32, #tpu.memory_space<vmem_shared>> -> memref<90x128xf32, #tpu.memory_space<vmem_shared>>
        tpu.wait_indirect_dma semaphore(%arg11 : memref<!tpu.dma_semaphore, #tpu.memory_space<semaphore_mem>>) src(%dma_wait3A_101 : memref<90x128xf32, #tpu.memory_space<vmem_shared>>) dst(%arg9 : memref<256x128xf32, #tpu.memory_space<vmem>>)
        %add3A_102 = arith.constant 1 : i32
        %add3A_103 = arith.addi %add3A_45, %add3A_102 : i32
        %min3A_104 = arith.constant 399 : i32
        %min3A_105 = arith.minsi %add3A_103, %min3A_104 : i32
        %mul3A_106 = arith.constant 256 : i32
        %mul3A_107 = arith.muli %min3A_105, %mul3A_106 : i32
        %add3A_108 = arith.addi %mul3A_2, %mul3A_107 : i32
        %dma_start3A_109 = tpu.memref_slice %arg2[%add3A_108] : memref<3276800xi32, #tpu.memory_space<hbm>> -> memref<256xi32, #tpu.memory_space<hbm>>
        %dma_start3A_110 = tpu.memref_slice %arg2[%add3A_108] : memref<3276800xi32, #tpu.memory_space<hbm>> -> memref<256xi32, #tpu.memory_space<hbm>>
        tpu.enqueue_dma source(%dma_start3A_110 : memref<256xi32, #tpu.memory_space<hbm>>) target(%arg7 : memref<256xi32, #tpu.memory_space<vmem>>) target_semaphore(%arg15 : memref<!tpu.dma_semaphore, #tpu.memory_space<semaphore_mem>>)
        %sub3A_111 = arith.constant 1 : i32
        %sub3A_112 = arith.subi %add3A_45, %sub3A_111 : i32
        %mul3A_113 = arith.constant 256 : i32
        %mul3A_114 = arith.muli %sub3A_112, %mul3A_113 : i32
        %add3A_115 = arith.addi %mul3A_2, %mul3A_114 : i32
        %dma_start3A_116 = arith.constant 0 : i32
        %dma_start3A_117 = tpu.memref_slice %arg4[%add3A_115, %dma_start3A_116] : memref<3276800x128xf32, #tpu.memory_space<hbm>> -> memref<256x128xf32, #tpu.memory_space<hbm>>
        %dma_start3A_118 = arith.constant 0 : i32
        %dma_start3A_119 = tpu.memref_slice %arg4[%add3A_115, %dma_start3A_118] : memref<3276800x128xf32, #tpu.memory_space<hbm>> -> memref<256x128xf32, #tpu.memory_space<hbm>>
        tpu.enqueue_dma source(%arg9 : memref<256x128xf32, #tpu.memory_space<vmem>>) target(%dma_start3A_119 : memref<256x128xf32, #tpu.memory_space<hbm>>) target_semaphore(%arg13 : memref<!tpu.dma_semaphore, #tpu.memory_space<semaphore_mem>>)
      } else {
      }
      %mul3A_63 = arith.constant 2 : i32
      %mul3A_64 = arith.muli %mul3A_63, %scan3A_41 : i32
      %add3A_65 = arith.constant 1 : i32
      %add3A_66 = arith.addi %mul3A_64, %add3A_65 : i32
      %ge3A_67 = arith.constant 1 : i32
      %ge3A_68 = arith.cmpi sge, %scan3A_41, %ge3A_67 : i32
      %convert_element_type3A_69 = arith.extui %ge3A_68 : i1 to i32
      %cond3A_70 = arith.constant 0 : i32
      %cond3A_71 = arith.cmpi ne, %convert_element_type3A_69, %cond3A_70 : i32
      scf.if %cond3A_71 {
        %mul3A_99 = arith.constant 256 : i32
        %mul3A_100 = arith.muli %add3A_66, %mul3A_99 : i32
        %add3A_101 = arith.addi %mul3A_2, %mul3A_100 : i32
        %dma_wait3A_102 = arith.constant 0 : i32
        %dma_wait3A_103 = tpu.memref_slice %arg4[%add3A_101, %dma_wait3A_102] : memref<3276800x128xf32, #tpu.memory_space<hbm>> -> memref<256x128xf32, #tpu.memory_space<hbm>>
        %dma_wait3A_104 = arith.constant 0 : i32
        %dma_wait3A_105 = tpu.memref_slice %arg4[%add3A_101, %dma_wait3A_104] : memref<3276800x128xf32, #tpu.memory_space<hbm>> -> memref<256x128xf32, #tpu.memory_space<hbm>>
        tpu.wait_dma2 semaphore(%arg13 : memref<!tpu.dma_semaphore, #tpu.memory_space<semaphore_mem>>) src(%arg9 : memref<256x128xf32, #tpu.memory_space<vmem>>) dst(%dma_wait3A_105 : memref<256x128xf32, #tpu.memory_space<hbm>>)
      } else {
      }
      %mul3A_72 = arith.constant 256 : i32
      %mul3A_73 = arith.muli %add3A_66, %mul3A_72 : i32
      %add3A_74 = arith.addi %mul3A_2, %mul3A_73 : i32
      %dma_wait3A_75 = tpu.memref_slice %arg2[%add3A_74] : memref<3276800xi32, #tpu.memory_space<hbm>> -> memref<256xi32, #tpu.memory_space<hbm>>
      %dma_wait3A_76 = tpu.memref_slice %arg2[%add3A_74] : memref<3276800xi32, #tpu.memory_space<hbm>> -> memref<256xi32, #tpu.memory_space<hbm>>
      tpu.wait_dma2 semaphore(%arg15 : memref<!tpu.dma_semaphore, #tpu.memory_space<semaphore_mem>>) src(%dma_wait3A_76 : memref<256xi32, #tpu.memory_space<hbm>>) dst(%arg7 : memref<256xi32, #tpu.memory_space<vmem>>)
      %dma_start3A_77 = arith.constant 0 : i32
      %dma_start3A_78 = arith.constant 0 : i32
      %dma_start3A_79 = tpu.memref_slice %arg5[%dma_start3A_77, %dma_start3A_78] : memref<90x128xf32, #tpu.memory_space<vmem_shared>> -> memref<90x128xf32, #tpu.memory_space<vmem_shared>>
      tpu.enqueue_indirect_dma source(%dma_start3A_79 : memref<90x128xf32, #tpu.memory_space<vmem_shared>>) target(%arg9 : memref<256x128xf32, #tpu.memory_space<vmem>>) offsets(%arg7 : memref<256xi32, #tpu.memory_space<vmem>>) semaphore(%arg11 : memref<!tpu.dma_semaphore, #tpu.memory_space<semaphore_mem>>)
      %dma_wait3A_80 = arith.constant 0 : i32
      %dma_wait3A_81 = arith.constant 0 : i32
      %dma_wait3A_82 = tpu.memref_slice %arg5[%dma_wait3A_80, %dma_wait3A_81] : memref<90x128xf32, #tpu.memory_space<vmem_shared>> -> memref<90x128xf32, #tpu.memory_space<vmem_shared>>
      tpu.wait_indirect_dma semaphore(%arg10 : memref<!tpu.dma_semaphore, #tpu.memory_space<semaphore_mem>>) src(%dma_wait3A_82 : memref<90x128xf32, #tpu.memory_space<vmem_shared>>) dst(%arg8 : memref<256x128xf32, #tpu.memory_space<vmem>>)
      %add3A_83 = arith.constant 1 : i32
      %add3A_84 = arith.addi %add3A_66, %add3A_83 : i32
      %min3A = arith.constant 399 : i32
      %min3A_85 = arith.minsi %add3A_84, %min3A : i32
      %mul3A_86 = arith.constant 256 : i32
      %mul3A_87 = arith.muli %min3A_85, %mul3A_86 : i32
      %add3A_88 = arith.addi %mul3A_2, %mul3A_87 : i32
      %dma_start3A_89 = tpu.memref_slice %arg2[%add3A_88] : memref<3276800xi32, #tpu.memory_space<hbm>> -> memref<256xi32, #tpu.memory_space<hbm>>
      %dma_start3A_90 = tpu.memref_slice %arg2[%add3A_88] : memref<3276800xi32, #tpu.memory_space<hbm>> -> memref<256xi32, #tpu.memory_space<hbm>>
      tpu.enqueue_dma source(%dma_start3A_90 : memref<256xi32, #tpu.memory_space<hbm>>) target(%arg6 : memref<256xi32, #tpu.memory_space<vmem>>) target_semaphore(%arg14 : memref<!tpu.dma_semaphore, #tpu.memory_space<semaphore_mem>>)
      %sub3A = arith.constant 1 : i32
      %sub3A_91 = arith.subi %add3A_66, %sub3A : i32
      %mul3A_92 = arith.constant 256 : i32
      %mul3A_93 = arith.muli %sub3A_91, %mul3A_92 : i32
      %add3A_94 = arith.addi %mul3A_2, %mul3A_93 : i32
      %dma_start3A_95 = arith.constant 0 : i32
      %dma_start3A_96 = tpu.memref_slice %arg4[%add3A_94, %dma_start3A_95] : memref<3276800x128xf32, #tpu.memory_space<hbm>> -> memref<256x128xf32, #tpu.memory_space<hbm>>
      %dma_start3A_97 = arith.constant 0 : i32
      %dma_start3A_98 = tpu.memref_slice %arg4[%add3A_94, %dma_start3A_97] : memref<3276800x128xf32, #tpu.memory_space<hbm>> -> memref<256x128xf32, #tpu.memory_space<hbm>>
      tpu.enqueue_dma source(%arg8 : memref<256x128xf32, #tpu.memory_space<vmem>>) target(%dma_start3A_98 : memref<256x128xf32, #tpu.memory_space<hbm>>) target_semaphore(%arg12 : memref<!tpu.dma_semaphore, #tpu.memory_space<semaphore_mem>>)
    }
    %scan3A_16 = arith.constant 200 : i32
    %dma_wait3A = arith.constant 0 : i32
    %dma_wait3A_17 = arith.constant 0 : i32
    %dma_wait3A_18 = tpu.memref_slice %arg5[%dma_wait3A, %dma_wait3A_17] : memref<90x128xf32, #tpu.memory_space<vmem_shared>> -> memref<90x128xf32, #tpu.memory_space<vmem_shared>>
    tpu.wait_indirect_dma semaphore(%arg11 : memref<!tpu.dma_semaphore, #tpu.memory_space<semaphore_mem>>) src(%dma_wait3A_18 : memref<90x128xf32, #tpu.memory_space<vmem_shared>>) dst(%arg9 : memref<256x128xf32, #tpu.memory_space<vmem>>)
    %add3A_19 = arith.constant 102144 : i32
    %add3A_20 = arith.addi %mul3A_2, %add3A_19 : i32
    %dma_start3A_21 = arith.constant 0 : i32
    %dma_start3A_22 = tpu.memref_slice %arg4[%add3A_20, %dma_start3A_21] : memref<3276800x128xf32, #tpu.memory_space<hbm>> -> memref<256x128xf32, #tpu.memory_space<hbm>>
    %dma_start3A_23 = arith.constant 0 : i32
    %dma_start3A_24 = tpu.memref_slice %arg4[%add3A_20, %dma_start3A_23] : memref<3276800x128xf32, #tpu.memory_space<hbm>> -> memref<256x128xf32, #tpu.memory_space<hbm>>
    tpu.enqueue_dma source(%arg9 : memref<256x128xf32, #tpu.memory_space<vmem>>) target(%dma_start3A_24 : memref<256x128xf32, #tpu.memory_space<hbm>>) target_semaphore(%arg13 : memref<!tpu.dma_semaphore, #tpu.memory_space<semaphore_mem>>)
    %add3A_25 = arith.constant 102144 : i32
    %add3A_26 = arith.addi %mul3A_2, %add3A_25 : i32
    %dma_wait3A_27 = tpu.memref_slice %arg2[%add3A_26] : memref<3276800xi32, #tpu.memory_space<hbm>> -> memref<256xi32, #tpu.memory_space<hbm>>
    %dma_wait3A_28 = tpu.memref_slice %arg2[%add3A_26] : memref<3276800xi32, #tpu.memory_space<hbm>> -> memref<256xi32, #tpu.memory_space<hbm>>
    tpu.wait_dma2 semaphore(%arg14 : memref<!tpu.dma_semaphore, #tpu.memory_space<semaphore_mem>>) src(%dma_wait3A_28 : memref<256xi32, #tpu.memory_space<hbm>>) dst(%arg6 : memref<256xi32, #tpu.memory_space<vmem>>)
    %add3A_29 = arith.constant 0 : i32
    %add3A_30 = arith.addi %mul3A_2, %add3A_29 : i32
    %dma_wait3A_31 = arith.constant 0 : i32
    %dma_wait3A_32 = tpu.memref_slice %arg4[%add3A_30, %dma_wait3A_31] : memref<3276800x128xf32, #tpu.memory_space<hbm>> -> memref<256x128xf32, #tpu.memory_space<hbm>>
    %dma_wait3A_33 = arith.constant 0 : i32
    %dma_wait3A_34 = tpu.memref_slice %arg4[%add3A_30, %dma_wait3A_33] : memref<3276800x128xf32, #tpu.memory_space<hbm>> -> memref<256x128xf32, #tpu.memory_space<hbm>>
    tpu.wait_dma2 semaphore(%arg12 : memref<!tpu.dma_semaphore, #tpu.memory_space<semaphore_mem>>) src(%arg8 : memref<256x128xf32, #tpu.memory_space<vmem>>) dst(%dma_wait3A_34 : memref<256x128xf32, #tpu.memory_space<hbm>>)
    %add3A_35 = arith.constant 0 : i32
    %add3A_36 = arith.addi %mul3A_2, %add3A_35 : i32
    %dma_wait3A_37 = arith.constant 0 : i32
    %dma_wait3A_38 = tpu.memref_slice %arg4[%add3A_36, %dma_wait3A_37] : memref<3276800x128xf32, #tpu.memory_space<hbm>> -> memref<256x128xf32, #tpu.memory_space<hbm>>
    %dma_wait3A_39 = arith.constant 0 : i32
    %dma_wait3A_40 = tpu.memref_slice %arg4[%add3A_36, %dma_wait3A_39] : memref<3276800x128xf32, #tpu.memory_space<hbm>> -> memref<256x128xf32, #tpu.memory_space<hbm>>
    tpu.wait_dma2 semaphore(%arg13 : memref<!tpu.dma_semaphore, #tpu.memory_space<semaphore_mem>>) src(%arg9 : memref<256x128xf32, #tpu.memory_space<vmem>>) dst(%dma_wait3A_40 : memref<256x128xf32, #tpu.memory_space<hbm>>)
    return
  }
}

</mosaic_0001>

<sc_bundles>
// kernel: kernel.3.cloned.1.call-start
scs
__scs_entry_jumppad:
0x0: {  	(pc) =	sbr.rel $0x88, $3  }
0x1: {  	(tag) =	ssettag $0x0;
	lr =	simm.s32 $0x1  }
0x2: {  	[smem:$0x3F9F] =	sst lr;
	_ =	strace $0xD0000000  }
0x3: {  	_ = 	snop  }
0x4: {  	_ = 	snop  }
0x5: {  	_ = 	snop  }
0x6: {  	_ = 	snop  }
0x7: {  	_ = 	snop  }
__scs_overlays_trampoline_lowered:
0x8: {  	[smem:$0x3FAE] =	sst s0  }
0x9: {  	[smem:$0x3FAF] =	sst s1  }
0xa: {  	[smem:$0x3FB0] =	sst s2  }
0xb: {  	[smem:$0x3FB1] =	sst s3  }
0xc: {  	[smem:$0x3FB2] =	sst s4  }
0xd: {  	[smem:$0x3FB3] =	sst s5  }
0xe: {  	[smem:$0x3FB4] =	sst s6  }
0xf: {  	[smem:$0x3FB5] =	sst s7  }
0x10: {  	[smem:$0x3FB6] =	sst s8  }
0x11: {  	[smem:$0x3FB7] =	sst s9;
	s0 =	simm.s32 @!p0 $0x0  }
0x12: {  	s1 =	sld [smem:$0x3F9D];
	s0 =	simm.s32 @p0 $0x1  }
0x13: {  	[smem:$0x3FB8] =	sst s0;
	s0 =	simm.s32 @!p1 $0x0  }
0x14: {  	s2 =	sld [smem:$0x3F9C];
	s0 =	simm.s32 @p1 $0x1  }
0x15: {  	[smem:$0x3FB9] =	sst s0;
	s0 =	simm.s32 @!p2 $0x0  }
0x16: {  	s3 =	sld [smem:$0x3FDB];
	s0 =	simm.s32 @p2 $0x1  }
0x17: {  	s4 =	simm.s32 $0x1BF5;
	[smem:$0x3FBB] =	sst s0  }
0x18: {  	s0 =	sld [smem:$0x3F9E];
	_ =	swait.ge [sflag:s4], $0x0  }
0x19: {  	s7 =	sld [smem:$0x3F9F]  }
0x1a: {  	s8 =	sadd.s32 $0xFFFFE003, lr  }
0x1b: {  	s9 =	sadd.s32 $0xFFFFFEF7, lr;
	s5 =	simm.s32 $0xFFFFFFFF;
	p2 =	slt.u32 s8, $0xFFFFF086  }
0x1c: {  	p1 =	slt.u32 s9, $0xF7A;
	s5 =	simm.s32 @!p2 $0x0  }
0x1d: {  	s5 =	simm.s32 @p1 $0x1;
	p0 =	seq.s32 s7, s2  }
0x1e: {  	s7 =	smul.u32 @!p0 $0xF7A, s2;
	p2 =	seq.s32 @!p0 s5, $0x0  }
0x1f: {  	s9 =	smul.u32 $0xF7A, s1;
	s8 =	simm.s32 @!p0 $0x1BF5;
	p2 =	por !p2, p0  }
0x20: {  	[sflag:s8] =	ssyncset.s32 @!p0 $0xFFFFF086;
	s6 =	sadd.s32 @!p0 s3, s7;
	s7 =	simm.s32 @!p0 $0x108  }
0x21: {  	s3 =	sadd.s32 s3, s9;
	s6 =	sadd.s32 @!p0 $0x88, s6;
	s7 =	simm.s32 @p2 $0x1082  }
0x22: {  	[simem:s7], [sflag:s8] =	dma.local @!p0 [hbm:s6], $0xF7A  }
0x23: {  	s9 =	sor.u32 $0xD0000000, s2;
	s6 =	simm.s32 $0x108;
	_ =	swait.ge @!p0 [sflag:s8], $0x0  }
0x24: {  	s3 =	sadd.s32 $0x88, s3;
	s6 =	simm.s32 @!p1 $0x1082;
	[sflag:s4] =	ssyncset.s32 $0xFFFFF086  }
0x25: {  	[simem:s6], [sflag:s4] =	dma.local [hbm:s3], $0xF7A  }
0x26: {  	[smem:$0x3F9F] =	sst s1;
	(tag) =	ssettag s2;
	_ =	strace s9  }
0x27: {  	s1 =	sld [smem:$0x3FAF]  }
0x28: {  	s2 =	sld [smem:$0x3FB0]  }
0x29: {  	s4 =	sld [smem:$0x3FB2]  }
0x2a: {  	p0 =	seq.s32 s5, $0x0;
	s5 =	sld [smem:$0x3FB3]  }
0x2b: {  	s6 =	sld [smem:$0x3FB4]  }
0x2c: {  	s7 =	sld [smem:$0x3FB5]  }
0x2d: {  	s3 =	simm.s32 $0x108;
	s8 =	sld [smem:$0x3FB6]  }
0x2e: {  	s3 =	simm.s32 @!p0 $0x1082;
	s9 =	sld [smem:$0x3FB7]  }
0x2f: {  	lr =	sadd.s32 s0, s3;
	s0 =	sld [smem:$0x3FAE]  }
0x30: {  	s3 =	sld [smem:$0x3FB1]  }
0x31: {  	[smem:$0x3FBA] =	sst s10  }
0x32: {  	s10 =	sld [smem:$0x3FB8];
	_ =	sdelay $0x3  }
0x33: {  	p0 =	seq.s32 s10, $0x1;
	s10 =	sld [smem:$0x3FBA];
	_ =	sdelay $0x3  }
0x34: {  	[smem:$0x3FBA] =	sst s10  }
0x35: {  	s10 =	sld [smem:$0x3FB9];
	_ =	sdelay $0x3  }
0x36: {  	p1 =	seq.s32 s10, $0x1;
	s10 =	sld [smem:$0x3FBA];
	_ =	sdelay $0x3  }
0x37: {  	[smem:$0x3FBA] =	sst s10  }
0x38: {  	s10 =	sld [smem:$0x3FBB]  }
0x39: {  	_ = 	snop;
	(pc) =	sbr.ind lr, $3  }
0x3a: {  	_ = 	snop  }
0x3b: {  	_ = 	snop  }
0x3c: {  	p2 =	seq.s32 s10, $0x1;
	s10 =	sld [smem:$0x3FBA]  }
0x3d: {  	_ =	shalt  }
0x3e: {  	_ =	shalt  }
0x3f: {  	_ =	shalt  }
0x40: {  	_ =	shalt  }
0x41: {  	_ =	shalt  }
0x42: {  	_ =	shalt  }
0x43: {  	_ =	shalt  }
0x44: {  	_ =	shalt  }
0x45: {  	_ =	shalt  }
0x46: {  	_ =	shalt  }
0x47: {  	_ =	shalt  }
0x48: {  	_ =	shalt  }
0x49: {  	_ =	shalt  }
0x4a: {  	_ =	shalt  }
0x4b: {  	_ =	shalt  }
0x4c: {  	_ =	shalt  }
0x4d: {  	_ =	shalt  }
0x4e: {  	_ =	shalt  }
0x4f: {  	_ =	shalt  }
0x50: {  	_ =	shalt  }
0x51: {  	_ =	shalt  }
0x52: {  	_ =	shalt  }
0x53: {  	_ =	shalt  }
0x54: {  	_ =	shalt  }
0x55: {  	_ =	shalt  }
0x56: {  	_ =	shalt  }
0x57: {  	_ =	shalt  }
0x58: {  	_ =	shalt  }
0x59: {  	_ =	shalt  }
0x5a: {  	_ =	shalt  }
0x5b: {  	_ =	shalt  }
0x5c: {  	_ =	shalt  }
0x5d: {  	_ =	shalt  }
0x5e: {  	_ =	shalt  }
0x5f: {  	_ =	shalt  }
0x60: {  	_ =	shalt  }
0x61: {  	_ =	shalt  }
0x62: {  	_ =	shalt  }
0x63: {  	_ =	shalt  }
0x64: {  	_ =	shalt  }
0x65: {  	_ =	shalt  }
0x66: {  	_ =	shalt  }
0x67: {  	_ =	shalt  }
0x68: {  	_ =	shalt  }
0x69: {  	_ =	shalt  }
0x6a: {  	_ =	shalt  }
0x6b: {  	_ =	shalt  }
0x6c: {  	_ =	shalt  }
0x6d: {  	_ =	shalt  }
0x6e: {  	_ =	shalt  }
0x6f: {  	_ =	shalt  }
0x70: {  	_ =	shalt  }
0x71: {  	_ =	shalt  }
0x72: {  	_ =	shalt  }
0x73: {  	_ =	shalt  }
0x74: {  	_ =	shalt  }
0x75: {  	_ =	shalt  }
0x76: {  	_ =	shalt  }
0x77: {  	_ =	shalt  }
0x78: {  	_ =	shalt  }
0x79: {  	_ =	shalt  }
0x7a: {  	_ =	shalt  }
0x7b: {  	_ =	shalt  }
0x7c: {  	_ =	shalt  }
0x7d: {  	_ =	shalt  }
0x7e: {  	_ =	shalt  }
0x7f: {  	_ =	shalt  }
0x80: {  	_ =	shalt  }
0x81: {  	_ =	shalt  }
0x82: {  	_ =	shalt  }
0x83: {  	_ =	shalt  }
0x84: {  	_ =	shalt  }
0x85: {  	_ =	shalt  }
0x86: {  	_ =	shalt  }
0x87: {  	_ =	shalt  }
.Lfunc_end0:
.L_simem_size_0:
called_computation_lowered:
.L_overlay_start_0:
0x88: {  	s2 =	sld [smem:$0x3FD9]  }
0x89: {  	s3 =	sld [smem:$0x3FFE];
	_ =	sdelay $0x1  }
0x8a: {  	s1 =	srdreg.scid  }
0x8b: {  	s0 =	sand.u32 $0x1, s1  }
0x8c: {  	s17 =	sshll.u32 s0, $0xA;
	s2 =	sadd.s32 s3, s2  }
0x8d: {  	s2 =	sadd.s32 s2, s17  }
0x8e: {  	[smem:$0x3FC6] =	sst s2  }
0x8f: {  	_ = 	snop  }
0x90: {  	s2 =	sld [smem:$0x3FC8]  }
0x91: {  	s18 =	sld [smem:$0x3FD0];
	(tm) =	ssettm $0x1  }
0x92: {  	s4 =	sld [smem:$0x3FFB];
	_ =	sdelay $0x3  }
0x93: {  	_ =	strace s4  }
0x94: {  	s4 =	sld [smem:$0x3FFC];
	_ =	sdelay $0x3  }
0x95: {  	_ =	strace s4  }
0x96: {  	s4 =	sld [smem:$0x3FFD];
	_ =	sdelay $0x3  }
0x97: {  	_ =	strace s4  }
0x98: {  	_ =	strace $0x8FFFFFFF  }
0x99: {  	s19 =	sld [smem:$0x3FDB];
	_ =	sdelay $0x1  }
0x9a: {  	s5 =	simm.s32 $_scs_section_size  }
0x9b: {  	s6 =	simm.s32 $_size__tile_overlayer_lowered;
	s7 =	simm.s32 $_tile_overlayer_lowered  }
0x9c: {  	s22 =	simm.s32 $0x1BFF;
	s21 =	sshll.u32 s7, $0x1;
	s4 =	sadd.s32 s5, s19  }
0x9d: {  	s8 =	simm.s32 $0x0;
	s20 =	sshll.u32 s6, $0x1;
	s6 =	sadd.s32 s21, s4  }
0x9e: {  	[timem:s8], [sflag:s22] =	dma.local [hbm:s6], s20  }
0x9f: {  	_ =	swait.ge [sflag:s22], s20  }
0xa0: {  	s5 =	ssub.s32 $0x0, s20;
	[sflag:s22] =	ssyncset.done $0x0  }
0xa1: {  	[sflag:s22] =	ssyncadd.s32 s5;
	_ =	sdelay $0x1  }
0xa2: {  	s23 =	simm.s32 $0x1B8B  }
0xa3: {  	_ =	swait.ge [sflag:s23], $0x1  }
0xa4: {  	[sflag:s23] =	ssyncset.done $0x0  }
0xa5: {  	s25 =	simm.s32 $0x1B8E;
	s24 =	sld [smem:$0x3FFE];
	[sflag:s23] =	ssyncadd.s32 $0xFFFFFFFF  }
0xa6: {  	s26 =	simm.s32 $execute0_lowered;
	[smem:$0x3FD2] =	sst s25  }
0xa7: {  	s6 =	sshll.u32 s26, $0x1;
	_ =	strace $0x80000046;
	[dreg:$0x1] =	wrdreg $0xFFFFFFFF  }
0xa8: {  	s28 =	simm.s32 $_size_execute0_lowered;
	s4 =	sadd.s32 s4, s6;
	[dreg:$0x0] =	wrdreg $0x0  }
0xa9: {  	s6 =	sshll.u32 s28, $0x1;
	[dreg:$0x2] =	wrdreg s4  }
0xaa: {  	[dreg:$0x3] =	wrdreg s6  }
0xab: {  	[dreg:$0x4] =	wrdreg $0xC0  }
0xac: {  	_ =	task [dreg:s8], $0x5FFFF  }
0xad: {  	[dreg:$0x1] =	wrdreg $0xFFFFFFFF  }
0xae: {  	[dreg:$0x0] =	wrdreg $0x60  }
0xaf: {  	[dreg:$0x2] =	wrdreg s24  }
0xb0: {  	[dreg:$0x3] =	wrdreg s2  }
0xb1: {  	[dreg:$0x4] =	wrdreg s18  }
0xb2: {  	[dreg:$0x5] =	wrdreg $0x0  }
0xb3: {  	[dreg:$0x6] =	wrdreg $0x9  }
0xb4: {  	_ =	task.clear_ibuf [dreg:s8], $0x7FFFF;
	_ =	strace $0x90000046  }
0xb5: {  	s29 =	simm.s32 $0x9;
	_ =	strace $0x80000048  }
0xb6: {  	_ =	swait.ge [sflag:s29], $0x1  }
0xb7: {  	[sflag:s29] =	ssyncadd.s32 $0xFFFFFFFF  }
0xb8: {  	_ =	strace $0x90000048  }
0xb9: {  	_ =	sfence  }
0xba: {  	s30 =	sld [smem:$0x0];
	_ =	sdelay $0x2  }
0xbb: {  	s31 =	sshll.u32 s1, $0xD;
	s1 =	sshrl.u32 s1, $0x2  }
0xbc: {  	s3 =	sand.u32 $0x4000, s31;
	s1 =	sadd.s32 s1, s30  }
0xbd: {  	s0 =	sor.u32 s3, s0;
	s1 =	sshll.u32 s1, $0x11  }
0xbe: {  	s0 =	sor.u32 s1, s0  }
0xbf: {  	s0 =	sadd.s32 $0x8F2B, s0  }
0xc0: {  	[sflag:s0] =	ssyncadd.remote.s32 $0x1  }
0xc1: {  	_ =	sfence.sel $0xFFFF  }
0xc2: {  	[dreg:$0x0] =	wrdreg $0xFFFFFFFF;
	(pc) =	sbr.abs _section_cstart, $3  }
0xc3: {  	[dreg:$0x1] =	wrdreg $0xFFFFFFFF  }
0xc4: {  	_ =	task.clear_ibuf [dreg:s8], $0x2FFFF;
	_ =	strace $0x9FFFFFFF  }
0xc5: {  	(tm) =	ssettm $0x7FFFFFFF  }
tec
execute0_lowered:
.L_overlay_start_1:
0x0: {  	(tag) =	ssettag $0x1  }
0x1: {  	s0 =	rddreg [dreg:$0x0]  }
0x2: {  	s1 =	rddreg [dreg:$0x2];
	s3 =	srdreg.scid  }
0x3: {  	s13 =	stileid.u32;
	s2 =	rddreg [dreg:$0x3];
	s28 =	simm.s32 $0x2  }
0x4: {  	s29 =	simm.s32 $0x4;
	s30 =	simm.s32 $0x0;
	s11 =	smul.u32 $0x1900000, s13  }
0x5: {  	s5 =	sand.u32 $0x1, s3;
	s4 =	sshll.u32 s13, $0x1;
	s14 =	smul.u32 $0x320000, s13  }
0x6: {  	s3 =	simm.s32 $0x0;
	s6 =	sor.u32 s5, s4;
	s12 =	smul.u32 $0xC80000, s5  }
0x7: {  	s0 =	sadd.s32 $0x400, s0;
	p0 =	sne.s32 s13, $0x0;
	s7 =	smul.u32 $0x19000, s6  }
0x8: {  	[smem:$0x7FF] =	sst s3;
	s16 =	ssub.s32 $0x2, s5;
	s9 =	smul.u32 $0xC80000, s6  }
0x9: {  	_ =	strace $0x80000047;
	s8 =	sshrl.u32 s16, $0x1;
	s10 =	smul.u32 $0x190000, s6  }
0xa: {  	s14 =	sadd.s32 s14, s1;
	s8 =	ssub.s32 s16, s8;
	s16 =	smul.u32 $0x190000, s5  }
0xb: {  	s12 =	sadd.s32 s12, s11;
	s17 =	sshrl.u32 s7, $0x3;
	s9 =	sshrl.u32 s9, $0x3  }
0xc: {  	s19 =	sor.u32 $0x200, s7;
	s21 =	smax.u32 s8, $0x1;
	s15 =	sadd.s32 s1, s10  }
0xd: {  	s22 =	sor.u32 $0x10000, s12;
	s4 =	sadd.s32 s0, s17;
	s6 =	sadd.s32 s1, s9  }
0xe: {  	[dreg:$0x7] =	wrdreg s21;
	s9 =	sshrl.u32 s19, $0x3;
	s17 =	smul.u32 $0x32000, s13  }
0xf: {  	s11 =	sadd.s32 $0x18D000, s15;
	s23 =	sshrl.u32 s22, $0x3;
	s24 =	sadd.s32 s16, s14  }
0x10: {  	s19 =	simm.s32 $0x3D0;
	s21 =	simm.s32 $0x100;
	s22 =	simm.s32 $0x4D0  }
0x11: {  	s18 =	sadd.s32 $0x20, s4;
	s20 =	sadd.s32 $0x18F000, s6;
	s9 =	sadd.s32 s0, s9  }
0x12: {  	s10 =	sadd.s32 $0x31E0, s4;
	s12 =	sadd.s32 $0x18E000, s6;
	s14 =	sadd.s32 $0x1000, s24  }
0x13: {  	s24 =	simm.s32 $0x84D0;
	[dreg:$0x5] =	wrdreg s18;
	s18 =	smul.u32 $0x19000, s5  }
0x14: {  	[dreg:$0x6] =	wrdreg s20;
	s5 =	sadd.s32 s23, s1;
	s20 =	simm.s32 $0x5  }
0x15: {  	s23 =	simm.s32 $0x6;
	s25 =	sadd.s32 s18, s17;
	s17 =	sshrl.u32 @!p0 s2, $0x3  }
0x16: {  	s18 =	simm.s32 $0x2D0;
	s26 =	sor.u32 $0x300, s25;
	s15 =	sor.u32 $0x400, s25  }
0x17: {  	s25 =	simm.s32 $0x1;
	s1 =	sshrl.u32 s26, $0x3;
	s31 =	sshrl.u32 s15, $0x3  }
0x18: {  	s26 =	simm.s32 $0x3;
	s15 =	sadd.s32 s1, s0;
	s16 =	sadd.s32 s31, s0  }
.LBB2_1:
0x19: {  	s0 =	simm.s32 @!p0 $0x1C07;
	s1 =	rddreg [dreg:$0x1]  }
0x1a: {  	[spmem:s17], [sflag:s0] =	dma.local @!p0 [hbm:s1], $0x5A0  }
0x1b: {  	s0 =	simm.s32 @!p0 $0x7  }
0x1c: {  	_ =	swait.ge @!p0 [sflag:s0], $0x5A0  }
0x1d: {  	[sflag:s0] =	ssyncset.done @!p0 $0x0  }
0x1e: {  	[sflag:s0] =	ssyncadd.s32 @!p0 $0xFFFFFA60  }
0x1f: {  	[bflag:$0x0] =	sbarrier.arrive $0xFFFF  }
0x20: {  	[tilespmem:s18], [sflag:$0x5] =	stream.linear.gather [hbm4b:s4+s3], $0x100, $0x38;
	[tilespmem:$0x104D0] =	vst v63  }
0x21: {  	s7 =	rddreg [dreg:$0x5]  }
0x22: {  	[tilespmem:s19], [sflag:$0x6] =	stream.linear.gather [hbm4b:s7+s3], $0x100, $0x38;
	[tilespmem:$0x104D0] =	vst v63  }
0x23: {  	_ =	swait.ge [sflag:s20], $0x100  }
0x24: {  	[sflag:s20] =	ssyncset.done $0x0  }
0x25: {  	[sflag:s20] =	ssyncadd.s32 $0xFFFFFF00  }
0x26: {  	[tilespmem:s22], [sflag:$0x1] =	stream.indirect.gather [spmem:s2], $0x80, s18, s21, $0xb8;
	[tilespmem:$0x104D0] =	vst v63  }
0x27: {  	_ =	swait.ge [sflag:s23], $0x100  }
0x28: {  	[sflag:s23] =	ssyncset.done $0x0  }
0x29: {  	[sflag:s23] =	ssyncadd.s32 $0xFFFFFF00  }
0x2a: {  	[tilespmem:s24], [sflag:$0x2] =	stream.indirect.gather [spmem:s2], $0x80, s19, s21, $0xb8;
	[tilespmem:$0x104D0] =	vst v63  }
0x2b: {  	_ =	swait.ge [sflag:s25], $0x8000  }
0x2c: {  	[sflag:s25] =	ssyncset.done $0x0  }
0x2d: {  	[sflag:s25] =	ssyncadd.s32 $0xFFFF8000  }
0x2e: {  	[tilespmem:s18], [sflag:$0x5] =	stream.linear.gather [hbm4b:s9+s3], $0x100, $0x38;
	[tilespmem:$0x104D0] =	vst v63  }
0x2f: {  	_ = 	snop  }
0x30: {  	[hbm4b:s6+s3] =	stream.linear.scatter [tilespmem:s22], [sflag:$0x3], $0x8000, $0x38;
	[tilespmem:$0x104D0] =	vst v63  }
0x31: {  	_ =	swait.ge [sflag:s26], $0x8000  }
0x32: {  	[sflag:s26] =	ssyncset.done $0x0  }
0x33: {  	[sflag:s26] =	ssyncadd.s32 $0xFFFF8000  }
0x34: {  	_ =	swait.ge [sflag:s20], $0x100  }
0x35: {  	[sflag:s20] =	ssyncset.done $0x0  }
0x36: {  	[sflag:s20] =	ssyncadd.s32 $0xFFFFFF00  }
0x37: {  	[tilespmem:s22], [sflag:$0x1] =	stream.indirect.gather [spmem:s2], $0x80, s18, s21, $0xb8;
	[tilespmem:$0x104D0] =	vst v63  }
0x38: {  	_ =	swait.ge [sflag:s28], $0x8000  }
0x39: {  	[sflag:s28] =	ssyncset.done $0x0  }
0x3a: {  	s8 =	sadd.s32 $0x0, s15;
	[sflag:s28] =	ssyncadd.s32 $0xFFFF8000  }
0x3b: {  	[tilespmem:s19], [sflag:$0x6] =	stream.linear.gather [hbm4b:s8+s3], $0x100, $0x38;
	[tilespmem:$0x104D0] =	vst v63  }
0x3c: {  	_ = 	snop  }
0x3d: {  	[hbm4b:s14+s3] =	stream.linear.scatter [tilespmem:s24], [sflag:$0x4], $0x8000, $0x38;
	[tilespmem:$0x104D0] =	vst v63  }
0x3e: {  	_ =	swait.ge [sflag:s29], $0x8000  }
0x3f: {  	[sflag:s29] =	ssyncset.done $0x0  }
0x40: {  	[sflag:s29] =	ssyncadd.s32 $0xFFFF8000  }
0x41: {  	_ =	swait.ge [sflag:s23], $0x100  }
0x42: {  	[sflag:s23] =	ssyncset.done $0x0  }
0x43: {  	[sflag:s23] =	ssyncadd.s32 $0xFFFFFF00  }
0x44: {  	[tilespmem:s24], [sflag:$0x2] =	stream.indirect.gather [spmem:s2], $0x80, s19, s21, $0xb8;
	[tilespmem:$0x104D0] =	vst v63  }
0x45: {  	_ =	swait.ge [sflag:s25], $0x8000  }
0x46: {  	[sflag:s25] =	ssyncset.done $0x0  }
0x47: {  	s13 =	sadd.s32 $0x0, s16;
	s31 =	simm.s32 $0x40;
	[sflag:s25] =	ssyncadd.s32 $0xFFFF8000  }
0x48: {  	[tilespmem:s18], [sflag:$0x5] =	stream.linear.gather [hbm4b:s13+s3], $0x100, $0x38;
	[tilespmem:$0x104D0] =	vst v63  }
0x49: {  	s1 =	sadd.s32 $0x2000, s5;
	s0 =	sadd.s32 $0x2000, s14;
	s13 =	smov.u32 s5  }
.LBB2_2:
0x4a: {  	[hbm4b:s13+s3] =	stream.linear.scatter [tilespmem:s22], [sflag:$0x3], $0x8000, $0x38;
	[tilespmem:$0x104D0] =	vst v63  }
0x4b: {  	s7 =	smov.u32 s31;
	s13 =	smov.u32 s1  }
0x4c: {  	p1 =	sne.s32 s31, $0x3140;
	s31 =	sadd.s32 $0x40, s31;
	_ =	swait.ge [sflag:s26], $0x8000  }
0x4d: {  	[sflag:s26] =	ssyncset.done $0x0  }
0x4e: {  	[sflag:s26] =	ssyncadd.s32 $0xFFFF8000  }
0x4f: {  	_ =	swait.ge [sflag:s20], $0x100  }
0x50: {  	[sflag:s20] =	ssyncset.done $0x0  }
0x51: {  	[sflag:s20] =	ssyncadd.s32 $0xFFFFFF00  }
0x52: {  	[tilespmem:s22], [sflag:$0x1] =	stream.indirect.gather [spmem:s2], $0x80, s18, s21, $0xb8;
	[tilespmem:$0x104D0] =	vst v63  }
0x53: {  	_ =	swait.ge [sflag:s28], $0x8000  }
0x54: {  	[sflag:s28] =	ssyncset.done $0x0  }
0x55: {  	s8 =	sadd.s32 s7, s15;
	[sflag:s28] =	ssyncadd.s32 $0xFFFF8000  }
0x56: {  	[tilespmem:s19], [sflag:$0x6] =	stream.linear.gather [hbm4b:s8+s3], $0x100, $0x38;
	[tilespmem:$0x104D0] =	vst v63  }
0x57: {  	_ = 	snop  }
0x58: {  	[hbm4b:s0+s3] =	stream.linear.scatter [tilespmem:s24], [sflag:$0x4], $0x8000, $0x38;
	[tilespmem:$0x104D0] =	vst v63  }
0x59: {  	_ =	swait.ge [sflag:s29], $0x8000  }
0x5a: {  	[sflag:s29] =	ssyncset.done $0x0  }
0x5b: {  	[sflag:s29] =	ssyncadd.s32 $0xFFFF8000  }
0x5c: {  	_ =	swait.ge [sflag:s23], $0x100  }
0x5d: {  	[sflag:s23] =	ssyncset.done $0x0  }
0x5e: {  	[sflag:s23] =	ssyncadd.s32 $0xFFFFFF00  }
0x5f: {  	[tilespmem:s24], [sflag:$0x2] =	stream.indirect.gather [spmem:s2], $0x80, s19, s21, $0xb8;
	[tilespmem:$0x104D0] =	vst v63  }
.Ltmp0:
0x60: {  	_ =	swait.ge [sflag:s25], $0x8000;
	(pc) =	sbr.rel @p1 .LBB2_2-.Ltmp0, $4  }
0x61: {  	[sflag:s25] =	ssyncset.done $0x0  }
0x62: {  	s7 =	sadd.s32 s7, s16;
	[sflag:s25] =	ssyncadd.s32 $0xFFFF8000  }
0x63: {  	[tilespmem:s18], [sflag:$0x5] =	stream.linear.gather [hbm4b:s7+s3], $0x100, $0x38;
	[tilespmem:$0x104D0] =	vst v63  }
0x64: {  	s1 =	sadd.s32 $0x2000, s1;
	s0 =	sadd.s32 $0x2000, s0  }
0x65: {  	[hbm4b:s13+s3] =	stream.linear.scatter [tilespmem:s22], [sflag:$0x3], $0x8000, $0x38;
	[tilespmem:$0x104D0] =	vst v63  }
0x66: {  	_ =	swait.ge [sflag:s26], $0x8000  }
0x67: {  	[sflag:s26] =	ssyncset.done $0x0  }
0x68: {  	[sflag:s26] =	ssyncadd.s32 $0xFFFF8000  }
0x69: {  	_ =	swait.ge [sflag:s20], $0x100  }
0x6a: {  	[sflag:s20] =	ssyncset.done $0x0  }
0x6b: {  	[sflag:s20] =	ssyncadd.s32 $0xFFFFFF00  }
0x6c: {  	[tilespmem:s22], [sflag:$0x1] =	stream.indirect.gather [spmem:s2], $0x80, s18, s21, $0xb8;
	[tilespmem:$0x104D0] =	vst v63  }
0x6d: {  	_ =	swait.ge [sflag:s28], $0x8000  }
0x6e: {  	[sflag:s28] =	ssyncset.done $0x0  }
0x6f: {  	[sflag:s28] =	ssyncadd.s32 $0xFFFF8000  }
0x70: {  	[tilespmem:s19], [sflag:$0x6] =	stream.linear.gather [hbm4b:s10+s3], $0x100, $0x38;
	[tilespmem:$0x104D0] =	vst v63  }
0x71: {  	_ = 	snop  }
0x72: {  	[hbm4b:s11+s3] =	stream.linear.scatter [tilespmem:s24], [sflag:$0x4], $0x8000, $0x38;
	[tilespmem:$0x104D0] =	vst v63  }
0x73: {  	_ =	swait.ge [sflag:s29], $0x8000  }
0x74: {  	[sflag:s29] =	ssyncset.done $0x0  }
0x75: {  	[sflag:s29] =	ssyncadd.s32 $0xFFFF8000  }
0x76: {  	_ =	swait.ge [sflag:s23], $0x100  }
0x77: {  	[sflag:s23] =	ssyncset.done $0x0  }
0x78: {  	[sflag:s23] =	ssyncadd.s32 $0xFFFFFF00  }
0x79: {  	[tilespmem:s24], [sflag:$0x2] =	stream.indirect.gather [spmem:s2], $0x80, s19, s21, $0xb8;
	[tilespmem:$0x104D0] =	vst v63  }
0x7a: {  	_ =	swait.ge [sflag:s25], $0x8000  }
0x7b: {  	[sflag:s25] =	ssyncset.done $0x0  }
0x7c: {  	[sflag:s25] =	ssyncadd.s32 $0xFFFF8000  }
0x7d: {  	[tilespmem:s18], [sflag:$0x5] =	stream.linear.gather [hbm4b:s10+s3], $0x100, $0x38;
	[tilespmem:$0x104D0] =	vst v63  }
0x7e: {  	_ = 	snop  }
0x7f: {  	[hbm4b:s12+s3] =	stream.linear.scatter [tilespmem:s22], [sflag:$0x3], $0x8000, $0x38;
	[tilespmem:$0x104D0] =	vst v63  }
0x80: {  	_ =	swait.ge [sflag:s28], $0x8000  }
0x81: {  	[sflag:s28] =	ssyncset.done $0x0  }
0x82: {  	s0 =	rddreg [dreg:$0x6];
	[sflag:s28] =	ssyncadd.s32 $0xFFFF8000  }
0x83: {  	[hbm4b:s0+s3] =	stream.linear.scatter [tilespmem:s24], [sflag:$0x4], $0x8000, $0x38;
	[tilespmem:$0x104D0] =	vst v63  }
0x84: {  	_ =	swait.ge [sflag:s20], $0x100  }
0x85: {  	[sflag:s20] =	ssyncset.done $0x0  }
0x86: {  	[sflag:s20] =	ssyncadd.s32 $0xFFFFFF00  }
0x87: {  	_ =	swait.ge [sflag:s26], $0x8000  }
0x88: {  	[sflag:s26] =	ssyncset.done $0x0  }
0x89: {  	[sflag:s26] =	ssyncadd.s32 $0xFFFF8000  }
0x8a: {  	_ =	swait.ge [sflag:s29], $0x8000  }
0x8b: {  	s30 =	sadd.s32 $0x1, s30;
	s31 =	rddreg [dreg:$0x7]  }
0x8c: {  	p1 =	sne.s32 s30, s31  }
.Ltmp1:
0x8d: {  	_ = 	snop;
	(pc) =	sbr.rel @p1 .LBB2_1-.Ltmp1, $3  }
0x8e: {  	_ =	sdelay $0x1  }
0x8f: {  	[sflag:s29] =	ssyncset.done $0x0  }
0x90: {  	[sflag:s29] =	ssyncadd.s32 $0xFFFF8000  }
0x91: {  	_ =	sfence.sel $0x180000  }
0x92: {  	[bflag:$0x0] =	sbarrier.arrive $0xFFFF  }
0x93: {  	_ =	strace $0x90000047  }
0x94: {  	[bflag:$0x2] =	sbarrier.arrive $0xFFFF  }
0x95: {  	s0 =	rddreg [dreg:$0x4]  }
0x96: {  	s0 =	sadd.s32 @!p0 $0x100000, s0  }
0x97: {  	[sflag:s0] =	ssyncadd.tile.s32 @!p0 $0x1;
	_ =	shalt  }
.Lfunc_end2:
_tile_overlayer_lowered:
.L_overlay_start_2:
0x98: {  	(tag) =	ssettag $0x2  }
0x99: {  	s0 =	rddreg [dreg:$0x0];
	s2 =	stileid.u32  }
0x9a: {  	s1 =	rddreg [dreg:$0x1];
	p0 =	sne.s32 s2, $0x0  }
0x9b: {  	s3 =	rddreg [dreg:$0x2];
	[bflag:$0x3] =	sbarrier.arrive $0xFFFF;
	s2 =	simm.s32 @!p0 $0x1C07  }
0x9c: {  	[timem:s3], [sflag:s2] =	dma.local @!p0 [hbm:s0], s1  }
0x9d: {  	s0 =	simm.s32 @!p0 $0x7  }
0x9e: {  	_ =	swait.ge @!p0 [sflag:s0], s1  }
0x9f: {  	s1 =	ssub.s32 @!p0 $0x0, s1;
	[sflag:s0] =	ssyncset.done @!p0 $0x0  }
0xa0: {  	[sflag:s0] =	ssyncadd.s32 @!p0 s1  }
0xa1: {  	[bflag:$0x3] =	sbarrier.arrive $0xFFFF  }
0xa2: {  	_ =	shalt  }

</sc_bundles>
